<compile_context>
chip_gen: v7x
topology: tpu7x:2x2x1
jax: 0.10.2.dev20260603
libtpu: 0.0.44.dev20260713+nightly
codegen_flags: <defaults>
</compile_context>

<pallas_src>
import functools

import jax
import jax.numpy as jnp
from jax import lax
from jax.experimental import pallas as pl
from jax.experimental.pallas import tpu as pltpu
from jax.experimental.pallas import tpu_sc as plsc

_MAXREL = 128
_LQ = 2048
_LK = 2048
_D = 64
_GROWS = 4104
_BAND_LO = _LQ - _MAXREL
_BAND_HI = _BAND_LO + 2 * _MAXREL
_NWORKERS = 32
_ROWS_PER_W = _LQ // _NWORKERS
_DEPTH = 8


def _build_band(table_ref, g_ref):
    row0 = table_ref[0:1, :]
    row_last = table_ref[2 * _MAXREL : 2 * _MAXREL + 1, :]
    ch = 256
    for k in range(0, _BAND_LO, ch):
        n = min(ch, _BAND_LO - k)
        g_ref[k : k + n, :] = jnp.broadcast_to(row0, (n, _D))
    g_ref[_BAND_LO:_BAND_HI, :] = table_ref[0 : 2 * _MAXREL, :]
    for k in range(_BAND_HI, _GROWS, ch):
        n = min(ch, _GROWS - k)
        g_ref[k : k + n, :] = jnp.broadcast_to(row_last, (n, _D))


def _expand_table(table):
    return pl.pallas_call(
        _build_band,
        out_shape=jax.ShapeDtypeStruct((_GROWS, _D), jnp.float32),
    )(table)


@functools.cache
def _sc_stream_fn():
    mesh = plsc.VectorSubcoreMesh(core_axis_name="c", subcore_axis_name="s")
    return pl.kernel(
        _sc_stream_body,
        out_type=jax.ShapeDtypeStruct((_LQ, _LK, _D), jnp.float32),
        mesh=mesh,
        scratch_types=[
            pltpu.VMEM_SHARED((_GROWS, _D), jnp.float32),
            pltpu.SemaphoreType.DMA,
        ],
        compiler_params=pltpu.CompilerParams(use_tc_tiling_on_sc=True),
    )


def _sc_stream_body(g_hbm, out_hbm, g_sh, sem):
    c = lax.axis_index("c")
    s = lax.axis_index("s")
    wid = c * 16 + s
    base = wid * _ROWS_PER_W

    @pl.when(s == 0)
    def _stage():
        pltpu.sync_copy(g_hbm, g_sh)

    plsc.subcore_barrier()

    def _copy(i):
        start = pl.multiple_of(_LQ - i, 1)
        return pltpu.make_async_copy(
            g_sh.at[pl.ds(start, _LQ), :], out_hbm.at[i], sem
        )

    def _issue(r, carry):
        @pl.when(r >= _DEPTH)
        def _wait_oldest():
            _copy(base + r - _DEPTH).wait()

        _copy(base + r).start()
        return carry

    lax.fori_loop(0, _ROWS_PER_W, _issue, 0)

    def _drain(r, carry):
        _copy(base + r).wait()
        return carry

    lax.fori_loop(_ROWS_PER_W - _DEPTH, _ROWS_PER_W, _drain, 0)


def kernel(length_q, length_k, embeddings_table):
    return _sc_stream_fn()(_expand_table(embeddings_table))

# --- scband reference (transcript-rebuilt; emitter-appended) ---
"""Pipeline reference for scband-relative-position-76682346103473 (READ-ONLY COPY).

The authoritative reference and input builder live on the scoring server;
editing this copy changes nothing except your own understanding.
"""

import jax, jax.numpy as jnp
import numpy as np

MAX_REL = 128
NUM_UNITS = 64

LENGTH_Q = 2048
LENGTH_K = 2048


def setup_inputs(seed: int = 0) -> dict:
    key = jax.random.key(seed)
    # xavier_uniform init for the embeddings table, sized per init_kwargs
    fan_in = MAX_REL * 2 + 1
    fan_out = NUM_UNITS
    limit = float(np.sqrt(6.0 / (fan_in + fan_out)))
    table = jax.random.uniform(key, (MAX_REL * 2 + 1, NUM_UNITS), dtype=jnp.float32, minval=-limit, maxval=limit)
    return {"length_q": LENGTH_Q, "length_k": LENGTH_K, "embeddings_table": table}


def reference(length_q, length_k, embeddings_table):
    range_vec_q = jnp.arange(LENGTH_Q) + (length_q - LENGTH_Q)
    range_vec_k = jnp.arange(LENGTH_K) + (length_k - LENGTH_K)
    distance_mat = range_vec_k[None, :] - range_vec_q[:, None]
    distance_mat_clipped = jnp.clip(distance_mat, -MAX_REL, MAX_REL)
    final_mat = (distance_mat_clipped + MAX_REL).astype(jnp.int32)
    embeddings = jnp.take(embeddings_table, final_mat, axis=0)
    return embeddings

if __name__ == "__main__":
    import jax
    _d = setup_inputs()
    print(jax.jit(kernel)(*tuple(_d.values())))

</pallas_src>

<mosaic_0001>
#map = affine_map<(d0, d1) -> (0, 0)>
#map1 = affine_map<(d0, d1) -> (0, 0, 0)>
module attributes {stable_mosaic.version = 14 : i64} {
  func.func @_sc_stream_body(%arg0: i32, %arg1: i32, %arg2: memref<4104x64xf32, #tpu.memory_space<hbm>>, %arg3: memref<2048x2048x64xf32, #tpu.memory_space<hbm>>, %arg4: memref<4104x64xf32, #tpu.memory_space<vmem_shared>>, %arg5: memref<!tpu.dma_semaphore, #tpu.memory_space<semaphore_mem>>) attributes {dimension_semantics = [#tpu.dimension_semantics<core_parallel>, #tpu.dimension_semantics<subcore_parallel>], iteration_bounds = array<i64: 2, 16>, scalar_prefetch = 0 : i64, scratch_operands = 2 : i64, tpu.core_type = #tpu.core_type<sc_vector_subcore>, window_params = [{transform_indices = #map}, {transform_indices = #map1}]} {
    %mul3A = arith.constant 16 : i32
    %mul3A_0 = arith.muli %arg0, %mul3A : i32
    %add3A = arith.addi %mul3A_0, %arg1 : i32
    %mul3A_1 = arith.constant 64 : i32
    %mul3A_2 = arith.muli %add3A, %mul3A_1 : i32
    %eq3A = arith.constant 0 : i32
    %eq3A_3 = arith.cmpi eq, %arg1, %eq3A : i32
    %convert_element_type3A = arith.extui %eq3A_3 : i1 to i32
    %cond3A = arith.constant 0 : i32
    %cond3A_4 = arith.cmpi ne, %convert_element_type3A, %cond3A : i32
    scf.if %cond3A_4 {
      "tpu.region"() ({
        %run_scoped3A = tpu.sem_alloc : memref<!tpu.dma_semaphore, #tpu.memory_space<semaphore_mem>>
        tpu.enqueue_dma source(%arg2 : memref<4104x64xf32, #tpu.memory_space<hbm>>) target(%arg4 : memref<4104x64xf32, #tpu.memory_space<vmem_shared>>) target_semaphore(%run_scoped3A : memref<!tpu.dma_semaphore, #tpu.memory_space<semaphore_mem>>)
        tpu.wait_dma2 semaphore(%run_scoped3A : memref<!tpu.dma_semaphore, #tpu.memory_space<semaphore_mem>>) src(%arg2 : memref<4104x64xf32, #tpu.memory_space<hbm>>) dst(%arg4 : memref<4104x64xf32, #tpu.memory_space<vmem_shared>>)
        tpu.yield
      }) : () -> ()
    } else {
    }
    %barrier3A = arith.constant 0 : index
    tpu.barrier barrier_id(%barrier3A)
    %scan3A = arith.constant 0 : i32
    %scan3A_5 = arith.constant 0 : i32
    %scan3A_6 = arith.constant 64 : i32
    %scan3A_7 = arith.addi %scan3A_5, %scan3A_6 : i32
    %scan3A_8 = arith.constant 1 : i32
    scf.for %scan3A_16 = %scan3A_5 to %scan3A_7 step %scan3A_8  : i32 {
      %ge3A = arith.constant 8 : i32
      %ge3A_17 = arith.cmpi sge, %scan3A_16, %ge3A : i32
      %convert_element_type3A_18 = arith.extui %ge3A_17 : i1 to i32
      %cond3A_19 = arith.constant 0 : i32
      %cond3A_20 = arith.cmpi ne, %convert_element_type3A_18, %cond3A_19 : i32
      scf.if %cond3A_20 {
        %add3A_28 = arith.addi %mul3A_2, %scan3A_16 : i32
        %sub3A_29 = arith.constant 8 : i32
        %sub3A_30 = arith.subi %add3A_28, %sub3A_29 : i32
        %sub3A_31 = arith.constant 2048 : i32
        %sub3A_32 = arith.subi %sub3A_31, %sub3A_30 : i32
        %multiple_of3A_33 = tpu.assume_multiple %sub3A_32, 1 : i32
        %dma_wait3A = arith.constant 0 : i32
        %dma_wait3A_34 = arith.constant 0 : i32
        %dma_wait3A_35 = tpu.memref_slice %arg3[%sub3A_30, %dma_wait3A, %dma_wait3A_34] : memref<2048x2048x64xf32, #tpu.memory_space<hbm>> -> memref<1x2048x64xf32, #tpu.memory_space<hbm>>
        %dma_wait3A_36 = tpu.memref_squeeze %dma_wait3A_35 : memref<1x2048x64xf32, #tpu.memory_space<hbm>> -> memref<2048x64xf32, #tpu.memory_space<hbm>>
        %dma_wait3A_37 = arith.constant 0 : i32
        %dma_wait3A_38 = tpu.memref_slice %arg4[%multiple_of3A_33, %dma_wait3A_37] : memref<4104x64xf32, #tpu.memory_space<vmem_shared>> -> memref<2048x64xf32, #tpu.memory_space<vmem_shared>>
        tpu.wait_dma2 semaphore(%arg5 : memref<!tpu.dma_semaphore, #tpu.memory_space<semaphore_mem>>) src(%dma_wait3A_38 : memref<2048x64xf32, #tpu.memory_space<vmem_shared>>) dst(%dma_wait3A_36 : memref<2048x64xf32, #tpu.memory_space<hbm>>)
      } else {
      }
      %add3A_21 = arith.addi %mul3A_2, %scan3A_16 : i32
      %sub3A = arith.constant 2048 : i32
      %sub3A_22 = arith.subi %sub3A, %add3A_21 : i32
      %multiple_of3A = tpu.assume_multiple %sub3A_22, 1 : i32
      %dma_start3A = arith.constant 0 : i32
      %dma_start3A_23 = arith.constant 0 : i32
      %dma_start3A_24 = tpu.memref_slice %arg3[%add3A_21, %dma_start3A, %dma_start3A_23] : memref<2048x2048x64xf32, #tpu.memory_space<hbm>> -> memref<1x2048x64xf32, #tpu.memory_space<hbm>>
      %dma_start3A_25 = tpu.memref_squeeze %dma_start3A_24 : memref<1x2048x64xf32, #tpu.memory_space<hbm>> -> memref<2048x64xf32, #tpu.memory_space<hbm>>
      %dma_start3A_26 = arith.constant 0 : i32
      %dma_start3A_27 = tpu.memref_slice %arg4[%multiple_of3A, %dma_start3A_26] : memref<4104x64xf32, #tpu.memory_space<vmem_shared>> -> memref<2048x64xf32, #tpu.memory_space<vmem_shared>>
      tpu.enqueue_dma source(%dma_start3A_27 : memref<2048x64xf32, #tpu.memory_space<vmem_shared>>) target(%dma_start3A_25 : memref<2048x64xf32, #tpu.memory_space<hbm>>) target_semaphore(%arg5 : memref<!tpu.dma_semaphore, #tpu.memory_space<semaphore_mem>>)
    }
    %scan3A_9 = arith.constant 64 : i32
    %scan3A_10 = arith.constant 0 : i32
    %scan3A_11 = arith.constant 56 : i32
    %scan3A_12 = arith.constant 8 : i32
    %scan3A_13 = arith.addi %scan3A_11, %scan3A_12 : i32
    %scan3A_14 = arith.constant 1 : i32
    scf.for %scan3A_16 = %scan3A_11 to %scan3A_13 step %scan3A_14  : i32 {
      %add3A_17 = arith.addi %mul3A_2, %scan3A_16 : i32
      %sub3A = arith.constant 2048 : i32
      %sub3A_18 = arith.subi %sub3A, %add3A_17 : i32
      %multiple_of3A = tpu.assume_multiple %sub3A_18, 1 : i32
      %dma_wait3A = arith.constant 0 : i32
      %dma_wait3A_19 = arith.constant 0 : i32
      %dma_wait3A_20 = tpu.memref_slice %arg3[%add3A_17, %dma_wait3A, %dma_wait3A_19] : memref<2048x2048x64xf32, #tpu.memory_space<hbm>> -> memref<1x2048x64xf32, #tpu.memory_space<hbm>>
      %dma_wait3A_21 = tpu.memref_squeeze %dma_wait3A_20 : memref<1x2048x64xf32, #tpu.memory_space<hbm>> -> memref<2048x64xf32, #tpu.memory_space<hbm>>
      %dma_wait3A_22 = arith.constant 0 : i32
      %dma_wait3A_23 = tpu.memref_slice %arg4[%multiple_of3A, %dma_wait3A_22] : memref<4104x64xf32, #tpu.memory_space<vmem_shared>> -> memref<2048x64xf32, #tpu.memory_space<vmem_shared>>
      tpu.wait_dma2 semaphore(%arg5 : memref<!tpu.dma_semaphore, #tpu.memory_space<semaphore_mem>>) src(%dma_wait3A_23 : memref<2048x64xf32, #tpu.memory_space<vmem_shared>>) dst(%dma_wait3A_21 : memref<2048x64xf32, #tpu.memory_space<hbm>>)
    }
    %scan3A_15 = arith.constant 8 : i32
    return
  }
}

module attributes {stable_mosaic.version = 14 : i64} {
  func.func @_build_band(%arg0: memref<257x64xf32, #tpu.memory_space<vmem>>, %arg1: memref<4104x64xf32, #tpu.memory_space<vmem>>) attributes {dimension_semantics = [], scalar_prefetch = 0 : i64, scratch_operands = 0 : i64, tpu.core_type = #tpu.core_type<tc>} {
    %get3A = arith.constant 0 : index
    %get3A_0 = arith.constant 0 : index
    %get3A_1 = vector.load %arg0[%get3A, %get3A_0] : memref<257x64xf32, #tpu.memory_space<vmem>>, vector<1x64xf32>
    %get3A_2 = arith.constant 256 : index
    %get3A_3 = arith.constant 0 : index
    %get3A_4 = vector.load %arg0[%get3A_2, %get3A_3] : memref<257x64xf32, #tpu.memory_space<vmem>>, vector<1x64xf32>
    %broadcast_in_dim3A = vector.shape_cast %get3A_1 : vector<1x64xf32> to vector<1x64xf32>
    %broadcast_in_dim3A_5 = vector.broadcast %broadcast_in_dim3A : vector<1x64xf32> to vector<256x64xf32>
    %swap3A = arith.constant 0 : index
    %swap3A_6 = arith.constant 0 : index
    %swap3A_7 = vector.load %arg1[%swap3A, %swap3A_6] : memref<4104x64xf32, #tpu.memory_space<vmem>>, vector<256x64xf32>
    tpu.vector_store %arg1[%swap3A, %swap3A_6], %broadcast_in_dim3A_5 {strides = array<i32>} : memref<4104x64xf32, #tpu.memory_space<vmem>>, vector<256x64xf32>,
    %broadcast_in_dim3A_8 = vector.shape_cast %get3A_1 : vector<1x64xf32> to vector<1x64xf32>
    %broadcast_in_dim3A_9 = vector.broadcast %broadcast_in_dim3A_8 : vector<1x64xf32> to vector<256x64xf32>
    %swap3A_10 = arith.constant 256 : index
    %swap3A_11 = arith.constant 0 : index
    %swap3A_12 = vector.load %arg1[%swap3A_10, %swap3A_11] : memref<4104x64xf32, #tpu.memory_space<vmem>>, vector<256x64xf32>
    tpu.vector_store %arg1[%swap3A_10, %swap3A_11], %broadcast_in_dim3A_9 {strides = array<i32>} : memref<4104x64xf32, #tpu.memory_space<vmem>>, vector<256x64xf32>,
    %broadcast_in_dim3A_13 = vector.shape_cast %get3A_1 : vector<1x64xf32> to vector<1x64xf32>
    %broadcast_in_dim3A_14 = vector.broadcast %broadcast_in_dim3A_13 : vector<1x64xf32> to vector<256x64xf32>
    %swap3A_15 = arith.constant 512 : index
    %swap3A_16 = arith.constant 0 : index
    %swap3A_17 = vector.load %arg1[%swap3A_15, %swap3A_16] : memref<4104x64xf32, #tpu.memory_space<vmem>>, vector<256x64xf32>
    tpu.vector_store %arg1[%swap3A_15, %swap3A_16], %broadcast_in_dim3A_14 {strides = array<i32>} : memref<4104x64xf32, #tpu.memory_space<vmem>>, vector<256x64xf32>,
    %broadcast_in_dim3A_18 = vector.shape_cast %get3A_1 : vector<1x64xf32> to vector<1x64xf32>
    %broadcast_in_dim3A_19 = vector.broadcast %broadcast_in_dim3A_18 : vector<1x64xf32> to vector<256x64xf32>
    %swap3A_20 = arith.constant 768 : index
    %swap3A_21 = arith.constant 0 : index
    %swap3A_22 = vector.load %arg1[%swap3A_20, %swap3A_21] : memref<4104x64xf32, #tpu.memory_space<vmem>>, vector<256x64xf32>
    tpu.vector_store %arg1[%swap3A_20, %swap3A_21], %broadcast_in_dim3A_19 {strides = array<i32>} : memref<4104x64xf32, #tpu.memory_space<vmem>>, vector<256x64xf32>,
    %broadcast_in_dim3A_23 = vector.shape_cast %get3A_1 : vector<1x64xf32> to vector<1x64xf32>
    %broadcast_in_dim3A_24 = vector.broadcast %broadcast_in_dim3A_23 : vector<1x64xf32> to vector<256x64xf32>
    %swap3A_25 = arith.constant 1024 : index
    %swap3A_26 = arith.constant 0 : index
    %swap3A_27 = vector.load %arg1[%swap3A_25, %swap3A_26] : memref<4104x64xf32, #tpu.memory_space<vmem>>, vector<256x64xf32>
    tpu.vector_store %arg1[%swap3A_25, %swap3A_26], %broadcast_in_dim3A_24 {strides = array<i32>} : memref<4104x64xf32, #tpu.memory_space<vmem>>, vector<256x64xf32>,
    %broadcast_in_dim3A_28 = vector.shape_cast %get3A_1 : vector<1x64xf32> to vector<1x64xf32>
    %broadcast_in_dim3A_29 = vector.broadcast %broadcast_in_dim3A_28 : vector<1x64xf32> to vector<256x64xf32>
    %swap3A_30 = arith.constant 1280 : index
    %swap3A_31 = arith.constant 0 : index
    %swap3A_32 = vector.load %arg1[%swap3A_30, %swap3A_31] : memref<4104x64xf32, #tpu.memory_space<vmem>>, vector<256x64xf32>
    tpu.vector_store %arg1[%swap3A_30, %swap3A_31], %broadcast_in_dim3A_29 {strides = array<i32>} : memref<4104x64xf32, #tpu.memory_space<vmem>>, vector<256x64xf32>,
    %broadcast_in_dim3A_33 = vector.shape_cast %get3A_1 : vector<1x64xf32> to vector<1x64xf32>
    %broadcast_in_dim3A_34 = vector.broadcast %broadcast_in_dim3A_33 : vector<1x64xf32> to vector<256x64xf32>
    %swap3A_35 = arith.constant 1536 : index
    %swap3A_36 = arith.constant 0 : index
    %swap3A_37 = vector.load %arg1[%swap3A_35, %swap3A_36] : memref<4104x64xf32, #tpu.memory_space<vmem>>, vector<256x64xf32>
    tpu.vector_store %arg1[%swap3A_35, %swap3A_36], %broadcast_in_dim3A_34 {strides = array<i32>} : memref<4104x64xf32, #tpu.memory_space<vmem>>, vector<256x64xf32>,
    %broadcast_in_dim3A_38 = vector.shape_cast %get3A_1 : vector<1x64xf32> to vector<1x64xf32>
    %broadcast_in_dim3A_39 = vector.broadcast %broadcast_in_dim3A_38 : vector<1x64xf32> to vector<128x64xf32>
    %swap3A_40 = arith.constant 1792 : index
    %swap3A_41 = arith.constant 0 : index
    %swap3A_42 = vector.load %arg1[%swap3A_40, %swap3A_41] : memref<4104x64xf32, #tpu.memory_space<vmem>>, vector<128x64xf32>
    tpu.vector_store %arg1[%swap3A_40, %swap3A_41], %broadcast_in_dim3A_39 {strides = array<i32>} : memref<4104x64xf32, #tpu.memory_space<vmem>>, vector<128x64xf32>,
    %get3A_43 = arith.constant 0 : index
    %get3A_44 = arith.constant 0 : index
    %get3A_45 = vector.load %arg0[%get3A_43, %get3A_44] : memref<257x64xf32, #tpu.memory_space<vmem>>, vector<256x64xf32>
    %swap3A_46 = arith.constant 1920 : index
    %swap3A_47 = arith.constant 0 : index
    %swap3A_48 = vector.load %arg1[%swap3A_46, %swap3A_47] : memref<4104x64xf32, #tpu.memory_space<vmem>>, vector<256x64xf32>
    tpu.vector_store %arg1[%swap3A_46, %swap3A_47], %get3A_45 {strides = array<i32>} : memref<4104x64xf32, #tpu.memory_space<vmem>>, vector<256x64xf32>,
    %broadcast_in_dim3A_49 = vector.shape_cast %get3A_4 : vector<1x64xf32> to vector<1x64xf32>
    %broadcast_in_dim3A_50 = vector.broadcast %broadcast_in_dim3A_49 : vector<1x64xf32> to vector<256x64xf32>
    %swap3A_51 = arith.constant 2176 : index
    %swap3A_52 = arith.constant 0 : index
    %swap3A_53 = vector.load %arg1[%swap3A_51, %swap3A_52] : memref<4104x64xf32, #tpu.memory_space<vmem>>, vector<256x64xf32>
    tpu.vector_store %arg1[%swap3A_51, %swap3A_52], %broadcast_in_dim3A_50 {strides = array<i32>} : memref<4104x64xf32, #tpu.memory_space<vmem>>, vector<256x64xf32>,
    %broadcast_in_dim3A_54 = vector.shape_cast %get3A_4 : vector<1x64xf32> to vector<1x64xf32>
    %broadcast_in_dim3A_55 = vector.broadcast %broadcast_in_dim3A_54 : vector<1x64xf32> to vector<256x64xf32>
    %swap3A_56 = arith.constant 2432 : index
    %swap3A_57 = arith.constant 0 : index
    %swap3A_58 = vector.load %arg1[%swap3A_56, %swap3A_57] : memref<4104x64xf32, #tpu.memory_space<vmem>>, vector<256x64xf32>
    tpu.vector_store %arg1[%swap3A_56, %swap3A_57], %broadcast_in_dim3A_55 {strides = array<i32>} : memref<4104x64xf32, #tpu.memory_space<vmem>>, vector<256x64xf32>,
    %broadcast_in_dim3A_59 = vector.shape_cast %get3A_4 : vector<1x64xf32> to vector<1x64xf32>
    %broadcast_in_dim3A_60 = vector.broadcast %broadcast_in_dim3A_59 : vector<1x64xf32> to vector<256x64xf32>
    %swap3A_61 = arith.constant 2688 : index
    %swap3A_62 = arith.constant 0 : index
    %swap3A_63 = vector.load %arg1[%swap3A_61, %swap3A_62] : memref<4104x64xf32, #tpu.memory_space<vmem>>, vector<256x64xf32>
    tpu.vector_store %arg1[%swap3A_61, %swap3A_62], %broadcast_in_dim3A_60 {strides = array<i32>} : memref<4104x64xf32, #tpu.memory_space<vmem>>, vector<256x64xf32>,
    %broadcast_in_dim3A_64 = vector.shape_cast %get3A_4 : vector<1x64xf32> to vector<1x64xf32>
    %broadcast_in_dim3A_65 = vector.broadcast %broadcast_in_dim3A_64 : vector<1x64xf32> to vector<256x64xf32>
    %swap3A_66 = arith.constant 2944 : index
    %swap3A_67 = arith.constant 0 : index
    %swap3A_68 = vector.load %arg1[%swap3A_66, %swap3A_67] : memref<4104x64xf32, #tpu.memory_space<vmem>>, vector<256x64xf32>
    tpu.vector_store %arg1[%swap3A_66, %swap3A_67], %broadcast_in_dim3A_65 {strides = array<i32>} : memref<4104x64xf32, #tpu.memory_space<vmem>>, vector<256x64xf32>,
    %broadcast_in_dim3A_69 = vector.shape_cast %get3A_4 : vector<1x64xf32> to vector<1x64xf32>
    %broadcast_in_dim3A_70 = vector.broadcast %broadcast_in_dim3A_69 : vector<1x64xf32> to vector<256x64xf32>
    %swap3A_71 = arith.constant 3200 : index
    %swap3A_72 = arith.constant 0 : index
    %swap3A_73 = vector.load %arg1[%swap3A_71, %swap3A_72] : memref<4104x64xf32, #tpu.memory_space<vmem>>, vector<256x64xf32>
    tpu.vector_store %arg1[%swap3A_71, %swap3A_72], %broadcast_in_dim3A_70 {strides = array<i32>} : memref<4104x64xf32, #tpu.memory_space<vmem>>, vector<256x64xf32>,
    %broadcast_in_dim3A_74 = vector.shape_cast %get3A_4 : vector<1x64xf32> to vector<1x64xf32>
    %broadcast_in_dim3A_75 = vector.broadcast %broadcast_in_dim3A_74 : vector<1x64xf32> to vector<256x64xf32>
    %swap3A_76 = arith.constant 3456 : index
    %swap3A_77 = arith.constant 0 : index
    %swap3A_78 = vector.load %arg1[%swap3A_76, %swap3A_77] : memref<4104x64xf32, #tpu.memory_space<vmem>>, vector<256x64xf32>
    tpu.vector_store %arg1[%swap3A_76, %swap3A_77], %broadcast_in_dim3A_75 {strides = array<i32>} : memref<4104x64xf32, #tpu.memory_space<vmem>>, vector<256x64xf32>,
    %broadcast_in_dim3A_79 = vector.shape_cast %get3A_4 : vector<1x64xf32> to vector<1x64xf32>
    %broadcast_in_dim3A_80 = vector.broadcast %broadcast_in_dim3A_79 : vector<1x64xf32> to vector<256x64xf32>
    %swap3A_81 = arith.constant 3712 : index
    %swap3A_82 = arith.constant 0 : index
    %swap3A_83 = vector.load %arg1[%swap3A_81, %swap3A_82] : memref<4104x64xf32, #tpu.memory_space<vmem>>, vector<256x64xf32>
    tpu.vector_store %arg1[%swap3A_81, %swap3A_82], %broadcast_in_dim3A_80 {strides = array<i32>} : memref<4104x64xf32, #tpu.memory_space<vmem>>, vector<256x64xf32>,
    %broadcast_in_dim3A_84 = vector.shape_cast %get3A_4 : vector<1x64xf32> to vector<1x64xf32>
    %broadcast_in_dim3A_85 = vector.broadcast %broadcast_in_dim3A_84 : vector<1x64xf32> to vector<136x64xf32>
    %swap3A_86 = arith.constant 3968 : index
    %swap3A_87 = arith.constant 0 : index
    %swap3A_88 = vector.load %arg1[%swap3A_86, %swap3A_87] : memref<4104x64xf32, #tpu.memory_space<vmem>>, vector<136x64xf32>
    tpu.vector_store %arg1[%swap3A_86, %swap3A_87], %broadcast_in_dim3A_85 {strides = array<i32>} : memref<4104x64xf32, #tpu.memory_space<vmem>>, vector<136x64xf32>,
    return
  }
}

</mosaic_0001>

<sc_bundles>
// kernel: kernel.4.cloned.1.call-start
scs
__scs_entry_jumppad:
0x0: {  	(pc) =	sbr.rel $0x88, $3  }
0x1: {  	(tag) =	ssettag $0x0;
	lr =	simm.s32 $0x1  }
0x2: {  	[smem:$0x3FA0] =	sst lr;
	_ =	strace $0xD0000000  }
0x3: {  	_ = 	snop  }
0x4: {  	_ = 	snop  }
0x5: {  	_ = 	snop  }
0x6: {  	_ = 	snop  }
0x7: {  	_ = 	snop  }
__scs_overlays_trampoline_lowered:
0x8: {  	[smem:$0x3FAF] =	sst s0  }
0x9: {  	[smem:$0x3FB0] =	sst s1  }
0xa: {  	[smem:$0x3FB1] =	sst s2  }
0xb: {  	[smem:$0x3FB2] =	sst s3  }
0xc: {  	[smem:$0x3FB3] =	sst s4  }
0xd: {  	[smem:$0x3FB4] =	sst s5  }
0xe: {  	[smem:$0x3FB5] =	sst s6  }
0xf: {  	[smem:$0x3FB6] =	sst s7  }
0x10: {  	[smem:$0x3FB7] =	sst s8  }
0x11: {  	[smem:$0x3FB8] =	sst s9;
	s0 =	simm.s32 @!p0 $0x0  }
0x12: {  	s1 =	sld [smem:$0x3F9E];
	s0 =	simm.s32 @p0 $0x1  }
0x13: {  	[smem:$0x3FB9] =	sst s0;
	s0 =	simm.s32 @!p1 $0x0  }
0x14: {  	s2 =	sld [smem:$0x3F9D];
	s0 =	simm.s32 @p1 $0x1  }
0x15: {  	[smem:$0x3FBA] =	sst s0;
	s0 =	simm.s32 @!p2 $0x0  }
0x16: {  	s3 =	sld [smem:$0x3FDB];
	s0 =	simm.s32 @p2 $0x1  }
0x17: {  	s4 =	simm.s32 $0x1BF5;
	[smem:$0x3FBC] =	sst s0  }
0x18: {  	s0 =	sld [smem:$0x3F9F];
	_ =	swait.ge [sflag:s4], $0x0  }
0x19: {  	s7 =	sld [smem:$0x3FA0]  }
0x1a: {  	s8 =	sadd.s32 $0xFFFFE003, lr  }
0x1b: {  	s9 =	sadd.s32 $0xFFFFFEF7, lr;
	s5 =	simm.s32 $0xFFFFFFFF;
	p2 =	slt.u32 s8, $0xFFFFF086  }
0x1c: {  	p1 =	slt.u32 s9, $0xF7A;
	s5 =	simm.s32 @!p2 $0x0  }
0x1d: {  	s5 =	simm.s32 @p1 $0x1;
	p0 =	seq.s32 s7, s2  }
0x1e: {  	s7 =	smul.u32 @!p0 $0xF7A, s2;
	p2 =	seq.s32 @!p0 s5, $0x0  }
0x1f: {  	s9 =	smul.u32 $0xF7A, s1;
	s8 =	simm.s32 @!p0 $0x1BF5;
	p2 =	por !p2, p0  }
0x20: {  	[sflag:s8] =	ssyncset.s32 @!p0 $0xFFFFF086;
	s6 =	sadd.s32 @!p0 s3, s7;
	s7 =	simm.s32 @!p0 $0x108  }
0x21: {  	s3 =	sadd.s32 s3, s9;
	s6 =	sadd.s32 @!p0 $0x88, s6;
	s7 =	simm.s32 @p2 $0x1082  }
0x22: {  	[simem:s7], [sflag:s8] =	dma.local @!p0 [hbm:s6], $0xF7A  }
0x23: {  	s9 =	sor.u32 $0xD0000000, s2;
	s6 =	simm.s32 $0x108;
	_ =	swait.ge @!p0 [sflag:s8], $0x0  }
0x24: {  	s3 =	sadd.s32 $0x88, s3;
	s6 =	simm.s32 @!p1 $0x1082;
	[sflag:s4] =	ssyncset.s32 $0xFFFFF086  }
0x25: {  	[simem:s6], [sflag:s4] =	dma.local [hbm:s3], $0xF7A  }
0x26: {  	[smem:$0x3FA0] =	sst s1;
	(tag) =	ssettag s2;
	_ =	strace s9  }
0x27: {  	s1 =	sld [smem:$0x3FB0]  }
0x28: {  	s2 =	sld [smem:$0x3FB1]  }
0x29: {  	s4 =	sld [smem:$0x3FB3]  }
0x2a: {  	p0 =	seq.s32 s5, $0x0;
	s5 =	sld [smem:$0x3FB4]  }
0x2b: {  	s6 =	sld [smem:$0x3FB5]  }
0x2c: {  	s7 =	sld [smem:$0x3FB6]  }
0x2d: {  	s3 =	simm.s32 $0x108;
	s8 =	sld [smem:$0x3FB7]  }
0x2e: {  	s3 =	simm.s32 @!p0 $0x1082;
	s9 =	sld [smem:$0x3FB8]  }
0x2f: {  	lr =	sadd.s32 s0, s3;
	s0 =	sld [smem:$0x3FAF]  }
0x30: {  	s3 =	sld [smem:$0x3FB2]  }
0x31: {  	[smem:$0x3FBB] =	sst s10  }
0x32: {  	s10 =	sld [smem:$0x3FB9];
	_ =	sdelay $0x3  }
0x33: {  	p0 =	seq.s32 s10, $0x1;
	s10 =	sld [smem:$0x3FBB];
	_ =	sdelay $0x3  }
0x34: {  	[smem:$0x3FBB] =	sst s10  }
0x35: {  	s10 =	sld [smem:$0x3FBA];
	_ =	sdelay $0x3  }
0x36: {  	p1 =	seq.s32 s10, $0x1;
	s10 =	sld [smem:$0x3FBB];
	_ =	sdelay $0x3  }
0x37: {  	[smem:$0x3FBB] =	sst s10  }
0x38: {  	s10 =	sld [smem:$0x3FBC]  }
0x39: {  	_ = 	snop;
	(pc) =	sbr.ind lr, $3  }
0x3a: {  	_ = 	snop  }
0x3b: {  	_ = 	snop  }
0x3c: {  	p2 =	seq.s32 s10, $0x1;
	s10 =	sld [smem:$0x3FBB]  }
0x3d: {  	_ =	shalt  }
0x3e: {  	_ =	shalt  }
0x3f: {  	_ =	shalt  }
0x40: {  	_ =	shalt  }
0x41: {  	_ =	shalt  }
0x42: {  	_ =	shalt  }
0x43: {  	_ =	shalt  }
0x44: {  	_ =	shalt  }
0x45: {  	_ =	shalt  }
0x46: {  	_ =	shalt  }
0x47: {  	_ =	shalt  }
0x48: {  	_ =	shalt  }
0x49: {  	_ =	shalt  }
0x4a: {  	_ =	shalt  }
0x4b: {  	_ =	shalt  }
0x4c: {  	_ =	shalt  }
0x4d: {  	_ =	shalt  }
0x4e: {  	_ =	shalt  }
0x4f: {  	_ =	shalt  }
0x50: {  	_ =	shalt  }
0x51: {  	_ =	shalt  }
0x52: {  	_ =	shalt  }
0x53: {  	_ =	shalt  }
0x54: {  	_ =	shalt  }
0x55: {  	_ =	shalt  }
0x56: {  	_ =	shalt  }
0x57: {  	_ =	shalt  }
0x58: {  	_ =	shalt  }
0x59: {  	_ =	shalt  }
0x5a: {  	_ =	shalt  }
0x5b: {  	_ =	shalt  }
0x5c: {  	_ =	shalt  }
0x5d: {  	_ =	shalt  }
0x5e: {  	_ =	shalt  }
0x5f: {  	_ =	shalt  }
0x60: {  	_ =	shalt  }
0x61: {  	_ =	shalt  }
0x62: {  	_ =	shalt  }
0x63: {  	_ =	shalt  }
0x64: {  	_ =	shalt  }
0x65: {  	_ =	shalt  }
0x66: {  	_ =	shalt  }
0x67: {  	_ =	shalt  }
0x68: {  	_ =	shalt  }
0x69: {  	_ =	shalt  }
0x6a: {  	_ =	shalt  }
0x6b: {  	_ =	shalt  }
0x6c: {  	_ =	shalt  }
0x6d: {  	_ =	shalt  }
0x6e: {  	_ =	shalt  }
0x6f: {  	_ =	shalt  }
0x70: {  	_ =	shalt  }
0x71: {  	_ =	shalt  }
0x72: {  	_ =	shalt  }
0x73: {  	_ =	shalt  }
0x74: {  	_ =	shalt  }
0x75: {  	_ =	shalt  }
0x76: {  	_ =	shalt  }
0x77: {  	_ =	shalt  }
0x78: {  	_ =	shalt  }
0x79: {  	_ =	shalt  }
0x7a: {  	_ =	shalt  }
0x7b: {  	_ =	shalt  }
0x7c: {  	_ =	shalt  }
0x7d: {  	_ =	shalt  }
0x7e: {  	_ =	shalt  }
0x7f: {  	_ =	shalt  }
0x80: {  	_ =	shalt  }
0x81: {  	_ =	shalt  }
0x82: {  	_ =	shalt  }
0x83: {  	_ =	shalt  }
0x84: {  	_ =	shalt  }
0x85: {  	_ =	shalt  }
0x86: {  	_ =	shalt  }
0x87: {  	_ =	shalt  }
.Lfunc_end0:
.L_simem_size_0:
called_computation_lowered:
.L_overlay_start_0:
0x88: {  	s2 =	sld [smem:$0x3FD9]  }
0x89: {  	s3 =	sld [smem:$0x3FFE];
	_ =	sdelay $0x1  }
0x8a: {  	s1 =	srdreg.scid  }
0x8b: {  	s0 =	sand.u32 $0x1, s1  }
0x8c: {  	s17 =	sshll.u32 s0, $0xA;
	s2 =	sadd.s32 s3, s2  }
0x8d: {  	s2 =	sadd.s32 s2, s17  }
0x8e: {  	[smem:$0x3FC7] =	sst s2  }
0x8f: {  	_ = 	snop  }
0x90: {  	s2 =	sld [smem:$0x3FD0];
	(tm) =	ssettm $0x1  }
0x91: {  	s18 =	sld [smem:$0x3FFB];
	_ =	sdelay $0x3  }
0x92: {  	_ =	strace s18  }
0x93: {  	s3 =	sld [smem:$0x3FFC];
	_ =	sdelay $0x3  }
0x94: {  	_ =	strace s3  }
0x95: {  	s3 =	sld [smem:$0x3FFD];
	_ =	sdelay $0x3  }
0x96: {  	_ =	strace s3  }
0x97: {  	_ =	strace $0x8FFFFFFF  }
0x98: {  	s19 =	sld [smem:$0x3FDB];
	_ =	sdelay $0x1  }
0x99: {  	s4 =	simm.s32 $_scs_section_size  }
0x9a: {  	s5 =	simm.s32 $_size__tile_overlayer_lowered;
	s6 =	simm.s32 $_tile_overlayer_lowered  }
0x9b: {  	s22 =	simm.s32 $0x1BFF;
	s21 =	sshll.u32 s6, $0x1;
	s3 =	sadd.s32 s4, s19  }
0x9c: {  	s7 =	simm.s32 $0x0;
	s20 =	sshll.u32 s5, $0x1;
	s5 =	sadd.s32 s21, s3  }
0x9d: {  	[timem:s7], [sflag:s22] =	dma.local [hbm:s5], s20  }
0x9e: {  	_ =	swait.ge [sflag:s22], s20  }
0x9f: {  	s4 =	ssub.s32 $0x0, s20;
	[sflag:s22] =	ssyncset.done $0x0  }
0xa0: {  	[sflag:s22] =	ssyncadd.s32 s4;
	_ =	sdelay $0x1  }
0xa1: {  	s23 =	simm.s32 $0x1B8B  }
0xa2: {  	_ =	swait.ge [sflag:s23], $0x1  }
0xa3: {  	[sflag:s23] =	ssyncset.done $0x0  }
0xa4: {  	s25 =	simm.s32 $0x1B8E;
	s24 =	sld [smem:$0x3FFE];
	[sflag:s23] =	ssyncadd.s32 $0xFFFFFFFF  }
0xa5: {  	s26 =	simm.s32 $execute0_lowered;
	[smem:$0x3FD2] =	sst s25  }
0xa6: {  	s5 =	sshll.u32 s26, $0x1;
	_ =	strace $0x80000046;
	[dreg:$0x1] =	wrdreg $0xFFFFFFFF  }
0xa7: {  	s28 =	simm.s32 $_size_execute0_lowered;
	s3 =	sadd.s32 s3, s5;
	[dreg:$0x0] =	wrdreg $0x0  }
0xa8: {  	s5 =	sshll.u32 s28, $0x1;
	[dreg:$0x2] =	wrdreg s3  }
0xa9: {  	[dreg:$0x3] =	wrdreg s5  }
0xaa: {  	[dreg:$0x4] =	wrdreg $0xC0  }
0xab: {  	_ =	task [dreg:s7], $0x5FFFF  }
0xac: {  	[dreg:$0x1] =	wrdreg $0xFFFFFFFF  }
0xad: {  	[dreg:$0x0] =	wrdreg $0x60  }
0xae: {  	[dreg:$0x2] =	wrdreg s2  }
0xaf: {  	[dreg:$0x3] =	wrdreg s24  }
0xb0: {  	[dreg:$0x4] =	wrdreg $0x0  }
0xb1: {  	[dreg:$0x5] =	wrdreg $0x9  }
0xb2: {  	_ =	task.clear_ibuf [dreg:s7], $0x6FFFF;
	_ =	strace $0x90000046  }
0xb3: {  	s29 =	simm.s32 $0x9;
	_ =	strace $0x80000048  }
0xb4: {  	_ =	swait.ge [sflag:s29], $0x1  }
0xb5: {  	[sflag:s29] =	ssyncadd.s32 $0xFFFFFFFF  }
0xb6: {  	_ =	strace $0x90000048  }
0xb7: {  	_ =	sfence  }
0xb8: {  	s30 =	sld [smem:$0x0];
	_ =	sdelay $0x2  }
0xb9: {  	s31 =	sshll.u32 s1, $0xD;
	s1 =	sshrl.u32 s1, $0x2  }
0xba: {  	s3 =	sand.u32 $0x4000, s31;
	s1 =	sadd.s32 s1, s30  }
0xbb: {  	s0 =	sor.u32 s3, s0;
	s1 =	sshll.u32 s1, $0x11  }
0xbc: {  	s0 =	sor.u32 s1, s0  }
0xbd: {  	s0 =	sadd.s32 $0x8F2B, s0  }
0xbe: {  	[sflag:s0] =	ssyncadd.remote.s32 $0x1  }
0xbf: {  	_ =	sfence.sel $0xFFFF  }
0xc0: {  	[dreg:$0x0] =	wrdreg $0xFFFFFFFF;
	(pc) =	sbr.abs _section_cstart, $3  }
0xc1: {  	[dreg:$0x1] =	wrdreg $0xFFFFFFFF  }
0xc2: {  	_ =	task.clear_ibuf [dreg:s7], $0x2FFFF;
	_ =	strace $0x9FFFFFFF  }
0xc3: {  	(tm) =	ssettm $0x7FFFFFFF  }
tec
execute0_lowered:
.L_overlay_start_1:
0x0: {  	(tag) =	ssettag $0x1  }
0x1: {  	s1 =	rddreg [dreg:$0x0]  }
0x2: {  	s3 =	rddreg [dreg:$0x1]  }
0x3: {  	s6 =	rddreg [dreg:$0x2];
	s2 =	srdreg.scid  }
0x4: {  	s0 =	rddreg [dreg:$0x3];
	s8 =	stileid.u32  }
0x5: {  	s4 =	sand.u32 $0x1, s2;
	s2 =	simm.s32 $0x0;
	s28 =	sshll.u32 s8, $0xF  }
0x6: {  	s29 =	sshll.u32 s8, $0x15;
	p0 =	sne.s32 s8, $0x0;
	s31 =	sshll.u32 s8, $0x6  }
0x7: {  	s8 =	simm.s32 $0x1;
	s5 =	sshll.u32 s4, $0x19;
	s7 =	ssub.s32 $0x2, s4  }
0x8: {  	s4 =	sshll.u32 s4, $0x13;
	[smem:$0x7FF] =	sst s2;
	s3 =	sadd.s32 s5, s3  }
0x9: {  	s26 =	sshrl.u32 s7, $0x1;
	s4 =	sor.u32 s4, s28;
	_ =	strace $0x80000047  }
0xa: {  	s5 =	ssub.s32 s7, s26;
	s7 =	sadd.s32 s29, s3;
	s9 =	ssub.s32 $0x100000, s4  }
0xb: {  	s3 =	smax.u32 s5, $0x1;
	s4 =	sadd.s32 $0x600, s7;
	s30 =	sshrl.u32 s9, $0x2  }
0xc: {  	s7 =	sor.u32 $0x1C01, s31;
	s5 =	sadd.s32 s30, s6;
	s6 =	sshrl.u32 @!p0 s6, $0x3  }
.LBB2_1:
0xd: {  	s9 =	simm.s32 @!p0 $0x1C02  }
0xe: {  	[spmem:s6], [sflag:s9] =	dma.local @!p0 [hbm:s1], $0x10080  }
0xf: {  	s9 =	simm.s32 @!p0 $0x2  }
0x10: {  	_ =	swait.ge @!p0 [sflag:s9], $0x10080  }
0x11: {  	[sflag:s9] =	ssyncset.done @!p0 $0x0  }
0x12: {  	p1 =	por $0x1, $0x1;
	[sflag:s9] =	ssyncadd.s32 @!p0 $0xFFFEFF80  }
0x13: {  	s11 =	simm.s32 @!p1 $0x1;
	[bflag:$0x0] =	sbarrier.arrive $0xFFFF  }
0x14: {  	s10 =	sadd.s32 $0xFFFFFF80, s5;
	_ =	swait.ge @!p1 [sflag:s11], $0x8000  }
0x15: {  	s13 =	sshrl.u32 s5, $0x3;
	s12 =	smov.u32 s4;
	[sflag:s11] =	ssyncset.done @!p1 $0x0  }
0x16: {  	s9 =	simm.s32 $0x1;
	[sflag:s11] =	ssyncadd.s32 @!p1 $0xFFFF8000;
	s11 =	sadd.s32 $0x8000, s4  }
.LBB2_2:
0x17: {  	[hbm:s12], [sflag:s7] =	dma.local [spmem:s13], $0x8000  }
0x18: {  	p1 =	slt.u32 s9, $0x8;
	s9 =	sadd.s32 $0x1, s9  }
0x19: {  	p2 =	sne.s32 s9, $0x40  }
.Ltmp0:
0x1a: {  	(pc) =	sbr.rel @p2 .LBB2_2-.Ltmp0, $4  }
0x1b: {  	s14 =	smov.u32 s10;
	s13 =	simm.s32 @!p1 $0x1  }
0x1c: {  	s12 =	smov.u32 s11;
	_ =	swait.ge @!p1 [sflag:s13], $0x8000  }
0x1d: {  	s10 =	sadd.s32 $0xFFFFFF80, s10;
	[sflag:s13] =	ssyncset.done @!p1 $0x0  }
0x1e: {  	s11 =	sadd.s32 $0x8000, s11;
	[sflag:s13] =	ssyncadd.s32 @!p1 $0xFFFF8000;
	s13 =	sshrl.u32 s14, $0x3  }
0x1f: {  	[hbm:s12], [sflag:s7] =	dma.local [spmem:s13], $0x8000  }
0x20: {  	_ =	swait.ge [sflag:s8], $0x8000  }
0x21: {  	[sflag:s8] =	ssyncset.done $0x0  }
0x22: {  	[sflag:s8] =	ssyncadd.s32 $0xFFFF8000  }
0x23: {  	_ =	swait.ge [sflag:s8], $0x8000  }
0x24: {  	[sflag:s8] =	ssyncset.done $0x0  }
0x25: {  	[sflag:s8] =	ssyncadd.s32 $0xFFFF8000  }
0x26: {  	_ =	swait.ge [sflag:s8], $0x8000  }
0x27: {  	[sflag:s8] =	ssyncset.done $0x0  }
0x28: {  	[sflag:s8] =	ssyncadd.s32 $0xFFFF8000  }
0x29: {  	_ =	swait.ge [sflag:s8], $0x8000  }
0x2a: {  	[sflag:s8] =	ssyncset.done $0x0  }
0x2b: {  	[sflag:s8] =	ssyncadd.s32 $0xFFFF8000  }
0x2c: {  	_ =	swait.ge [sflag:s8], $0x8000  }
0x2d: {  	[sflag:s8] =	ssyncset.done $0x0  }
0x2e: {  	[sflag:s8] =	ssyncadd.s32 $0xFFFF8000  }
0x2f: {  	_ =	swait.ge [sflag:s8], $0x8000  }
0x30: {  	[sflag:s8] =	ssyncset.done $0x0  }
0x31: {  	s2 =	sadd.s32 $0x1, s2;
	[sflag:s8] =	ssyncadd.s32 $0xFFFF8000  }
0x32: {  	p1 =	sne.s32 s2, s3;
	_ =	swait.ge [sflag:s8], $0x8000  }
.Ltmp1:
0x33: {  	[sflag:s8] =	ssyncset.done $0x0;
	(pc) =	sbr.rel @p1 .LBB2_1-.Ltmp1, $4  }
0x34: {  	[sflag:s8] =	ssyncadd.s32 $0xFFFF8000  }
0x35: {  	_ =	swait.ge [sflag:s8], $0x8000  }
0x36: {  	[sflag:s8] =	ssyncset.done $0x0  }
0x37: {  	[sflag:s8] =	ssyncadd.s32 $0xFFFF8000  }
0x38: {  	_ =	sfence.sel $0x180000  }
0x39: {  	[bflag:$0x0] =	sbarrier.arrive $0xFFFF  }
0x3a: {  	_ =	strace $0x90000047  }
0x3b: {  	s0 =	sadd.s32 @!p0 $0x100000, s0;
	[bflag:$0x2] =	sbarrier.arrive $0xFFFF  }
0x3c: {  	[sflag:s0] =	ssyncadd.tile.s32 @!p0 $0x1;
	_ =	shalt  }
.Lfunc_end2:
_tile_overlayer_lowered:
.L_overlay_start_2:
0x3d: {  	(tag) =	ssettag $0x2  }
0x3e: {  	s0 =	rddreg [dreg:$0x0];
	s2 =	stileid.u32  }
0x3f: {  	s1 =	rddreg [dreg:$0x1];
	p0 =	sne.s32 s2, $0x0  }
0x40: {  	s3 =	rddreg [dreg:$0x2];
	[bflag:$0x3] =	sbarrier.arrive $0xFFFF;
	s2 =	simm.s32 @!p0 $0x1C02  }
0x41: {  	[timem:s3], [sflag:s2] =	dma.local @!p0 [hbm:s0], s1  }
0x42: {  	s0 =	simm.s32 @!p0 $0x2  }
0x43: {  	_ =	swait.ge @!p0 [sflag:s0], s1  }
0x44: {  	s1 =	ssub.s32 @!p0 $0x0, s1;
	[sflag:s0] =	ssyncset.done @!p0 $0x0  }
0x45: {  	[sflag:s0] =	ssyncadd.s32 @!p0 s1  }
0x46: {  	[bflag:$0x3] =	sbarrier.arrive $0xFFFF  }
0x47: {  	_ =	shalt  }

</sc_bundles>
